<compile_context>
chip_gen: v7x
topology: tpu7x:2x2x1
jax: 0.10.2.dev20260603
libtpu: 0.0.44.dev20260713+nightly
codegen_flags: <defaults>
</compile_context>

<pallas_src>
import functools

import jax
import jax.numpy as jnp
from jax import lax
from jax.experimental import pallas as pl
from jax.experimental.pallas import tpu as pltpu
from jax.experimental.pallas import tpu_sc as plsc

B, T, D, K = 8, 1024, 32, 8192
N_TOK = B * T
TOK_TILE = 1024
N_TILES = N_TOK // TOK_TILE
LW = 128

_NC, _NS = 2, 16
_NW = _NC * _NS
_TOK_PER_W = N_TOK // _NW


def _argmax_body(x_ref, cb_ref, ids_ref, tab_ref):
    logits = lax.dot_general(
        x_ref[0], cb_ref[...],
        dimension_numbers=(((1,), (1,)), ((), ())),
        preferred_element_type=jnp.float32,
    )
    ids = jnp.argmax(logits, axis=1).astype(jnp.int32)
    ids_ref[...] = ids.reshape(TOK_TILE // LW, LW)

    @pl.when(pl.program_id(0) == 0)
    def _():
        tab_ref[...] = jnp.pad(cb_ref[...], ((0, 0), (0, LW - D)))


def _tc_argmax(x, codebook):
    rows_per_tile = TOK_TILE // LW
    return pl.pallas_call(
        _argmax_body,
        grid=(N_TILES,),
        in_specs=[
            pl.BlockSpec((1, TOK_TILE, D), lambda i: (i, 0, 0)),
            pl.BlockSpec((K, D), lambda i: (0, 0)),
        ],
        out_specs=[
            pl.BlockSpec((rows_per_tile, LW), lambda i: (i, 0)),
            pl.BlockSpec((K, LW), lambda i: (0, 0)),
        ],
        out_shape=[
            jax.ShapeDtypeStruct((N_TOK // LW, LW), jnp.int32),
            jax.ShapeDtypeStruct((K, LW), jnp.float32),
        ],
    )(x, codebook)


@functools.cache
def _make_sc_gather():
    mesh = plsc.VectorSubcoreMesh(core_axis_name="c", subcore_axis_name="s")
    rows_per_w = _TOK_PER_W // LW

    @functools.partial(
        pl.kernel,
        mesh=mesh,
        out_type=jax.ShapeDtypeStruct((N_TOK, LW), jnp.float32),
        scratch_types=[
            pltpu.VMEM((rows_per_w, LW), jnp.int32),
            pltpu.VMEM((rows_per_w, LW, LW), jnp.float32),
            pltpu.SemaphoreType.DMA,
        ],
        compiler_params=pltpu.CompilerParams(use_tc_tiling_on_sc=True),
    )
    def _sc_gather(ids_hbm, table_hbm, out_hbm, idx_v, rows_v, sem):
        wid = lax.axis_index("s") * _NC + lax.axis_index("c")
        pltpu.sync_copy(ids_hbm.at[pl.ds(wid * rows_per_w, rows_per_w)], idx_v)
        copies = [
            pltpu.async_copy(table_hbm.at[idx_v.at[h]], rows_v.at[h], sem)
            for h in range(rows_per_w)
        ]
        for h in range(rows_per_w):
            copies[h].wait()
            base = wid * _TOK_PER_W + h * LW
            pltpu.sync_copy(rows_v.at[h], out_hbm.at[pl.ds(base, LW)])

    return _sc_gather


def kernel(x, codebook):
    ids, table = _tc_argmax(x, codebook)
    out = _make_sc_gather()(ids, table)
    return out[:, :D].reshape(B, T, D)

# --- scband reference (transcript-rebuilt; emitter-appended) ---
"""Pipeline reference for scband-codebook-layer-54073638256732 (READ-ONLY COPY).

The authoritative reference and input builder live on the scoring server;
editing this copy changes nothing except your own understanding.
"""

import jax, jax.numpy as jnp
import numpy as np

B, T, D, K = 8, 1024, 32, 8192

def setup_inputs(seed: int = 0) -> dict:
    key = jax.random.key(seed)
    k1, k2 = jax.random.split(key)
    x = jax.random.normal(k1, (B, T, D), dtype=jnp.float32)
    # learned parameter: codebook embedding table [num_codes, dim]
    codebook = jax.random.normal(k2, (K, D), dtype=jnp.float32)
    return {"x": x, "codebook": codebook}

def reference(x, codebook):
    # CodebookLayer.forward with tau=0 -> SnapFunction.forward
    # logits = x @ codebook.T ; ids = argmax ; output = embedding(ids, codebook)
    logits = jnp.matmul(x, codebook.T)            # [B, T, K]
    codebook_ids = jnp.argmax(logits, axis=-1)    # [B, T]
    output = jnp.take(codebook, codebook_ids, axis=0)  # [B, T, D]
    return output

if __name__ == "__main__":
    import jax
    _d = setup_inputs()
    print(jax.jit(kernel)(*tuple(_d.values())))

</pallas_src>

<mosaic_0001>
#map = affine_map<(d0, d1) -> (0, 0)>
module attributes {stable_mosaic.version = 14 : i64} {
  func.func @_sc_gather(%arg0: i32, %arg1: i32, %arg2: memref<64x128xi32, #tpu.memory_space<hbm>>, %arg3: memref<8192x128xf32, #tpu.memory_space<hbm>>, %arg4: memref<8192x128xf32, #tpu.memory_space<hbm>>, %arg5: memref<2x128xi32, #tpu.memory_space<vmem>>, %arg6: memref<2x128x128xf32, #tpu.memory_space<vmem>>, %arg7: memref<!tpu.dma_semaphore, #tpu.memory_space<semaphore_mem>>) attributes {dimension_semantics = [#tpu.dimension_semantics<core_parallel>, #tpu.dimension_semantics<subcore_parallel>], iteration_bounds = array<i64: 2, 16>, scalar_prefetch = 0 : i64, scratch_operands = 3 : i64, tpu.core_type = #tpu.core_type<sc_vector_subcore>, window_params = [{transform_indices = #map}, {transform_indices = #map}, {transform_indices = #map}]} {
    %mul3A = arith.constant 2 : i32
    %mul3A_0 = arith.muli %arg1, %mul3A : i32
    %add3A = arith.addi %mul3A_0, %arg0 : i32
    %mul3A_1 = arith.constant 2 : i32
    %mul3A_2 = arith.muli %add3A, %mul3A_1 : i32
    "tpu.region"() ({
      %run_scoped3A_58 = tpu.sem_alloc : memref<!tpu.dma_semaphore, #tpu.memory_space<semaphore_mem>>
      %dma_start3A_59 = arith.constant 0 : i32
      %dma_start3A_60 = tpu.memref_slice %arg2[%mul3A_2, %dma_start3A_59] : memref<64x128xi32, #tpu.memory_space<hbm>> -> memref<2x128xi32, #tpu.memory_space<hbm>>
      %dma_start3A_61 = arith.constant 0 : i32
      %dma_start3A_62 = tpu.memref_slice %arg2[%mul3A_2, %dma_start3A_61] : memref<64x128xi32, #tpu.memory_space<hbm>> -> memref<2x128xi32, #tpu.memory_space<hbm>>
      tpu.enqueue_dma source(%dma_start3A_62 : memref<2x128xi32, #tpu.memory_space<hbm>>) target(%arg5 : memref<2x128xi32, #tpu.memory_space<vmem>>) target_semaphore(%run_scoped3A_58 : memref<!tpu.dma_semaphore, #tpu.memory_space<semaphore_mem>>)
      %dma_wait3A_63 = arith.constant 0 : i32
      %dma_wait3A_64 = tpu.memref_slice %arg2[%mul3A_2, %dma_wait3A_63] : memref<64x128xi32, #tpu.memory_space<hbm>> -> memref<2x128xi32, #tpu.memory_space<hbm>>
      %dma_wait3A_65 = arith.constant 0 : i32
      %dma_wait3A_66 = tpu.memref_slice %arg2[%mul3A_2, %dma_wait3A_65] : memref<64x128xi32, #tpu.memory_space<hbm>> -> memref<2x128xi32, #tpu.memory_space<hbm>>
      tpu.wait_dma2 semaphore(%run_scoped3A_58 : memref<!tpu.dma_semaphore, #tpu.memory_space<semaphore_mem>>) src(%dma_wait3A_66 : memref<2x128xi32, #tpu.memory_space<hbm>>) dst(%arg5 : memref<2x128xi32, #tpu.memory_space<vmem>>)
      tpu.yield
    }) : () -> ()
    %dma_start3A = arith.constant 0 : i32
    %dma_start3A_3 = arith.constant 0 : i32
    %dma_start3A_4 = arith.constant 0 : i32
    %dma_start3A_5 = arith.constant 0 : i32
    %dma_start3A_6 = tpu.memref_slice %arg6[%dma_start3A_3, %dma_start3A_4, %dma_start3A_5] : memref<2x128x128xf32, #tpu.memory_space<vmem>> -> memref<1x128x128xf32, #tpu.memory_space<vmem>>
    %dma_start3A_7 = tpu.memref_squeeze %dma_start3A_6 : memref<1x128x128xf32, #tpu.memory_space<vmem>> -> memref<128x128xf32, #tpu.memory_space<vmem>>
    %dma_start3A_8 = arith.constant 0 : i32
    %dma_start3A_9 = tpu.memref_slice %arg5[%dma_start3A, %dma_start3A_8] : memref<2x128xi32, #tpu.memory_space<vmem>> -> memref<1x128xi32, #tpu.memory_space<vmem>>
    %dma_start3A_10 = tpu.memref_squeeze %dma_start3A_9 : memref<1x128xi32, #tpu.memory_space<vmem>> -> memref<128xi32, #tpu.memory_space<vmem>>
    %dma_start3A_11 = arith.constant 0 : i32
    %dma_start3A_12 = arith.constant 0 : i32
    %dma_start3A_13 = tpu.memref_slice %arg3[%dma_start3A_11, %dma_start3A_12] : memref<8192x128xf32, #tpu.memory_space<hbm>> -> memref<8192x128xf32, #tpu.memory_space<hbm>>
    tpu.enqueue_indirect_dma source(%dma_start3A_13 : memref<8192x128xf32, #tpu.memory_space<hbm>>) target(%dma_start3A_7 : memref<128x128xf32, #tpu.memory_space<vmem>>) offsets(%dma_start3A_10 : memref<128xi32, #tpu.memory_space<vmem>>) semaphore(%arg7 : memref<!tpu.dma_semaphore, #tpu.memory_space<semaphore_mem>>)
    %dma_start3A_14 = arith.constant 1 : i32
    %dma_start3A_15 = arith.constant 1 : i32
    %dma_start3A_16 = arith.constant 0 : i32
    %dma_start3A_17 = arith.constant 0 : i32
    %dma_start3A_18 = tpu.memref_slice %arg6[%dma_start3A_15, %dma_start3A_16, %dma_start3A_17] : memref<2x128x128xf32, #tpu.memory_space<vmem>> -> memref<1x128x128xf32, #tpu.memory_space<vmem>>
    %dma_start3A_19 = tpu.memref_squeeze %dma_start3A_18 : memref<1x128x128xf32, #tpu.memory_space<vmem>> -> memref<128x128xf32, #tpu.memory_space<vmem>>
    %dma_start3A_20 = arith.constant 0 : i32
    %dma_start3A_21 = tpu.memref_slice %arg5[%dma_start3A_14, %dma_start3A_20] : memref<2x128xi32, #tpu.memory_space<vmem>> -> memref<1x128xi32, #tpu.memory_space<vmem>>
    %dma_start3A_22 = tpu.memref_squeeze %dma_start3A_21 : memref<1x128xi32, #tpu.memory_space<vmem>> -> memref<128xi32, #tpu.memory_space<vmem>>
    %dma_start3A_23 = arith.constant 0 : i32
    %dma_start3A_24 = arith.constant 0 : i32
    %dma_start3A_25 = tpu.memref_slice %arg3[%dma_start3A_23, %dma_start3A_24] : memref<8192x128xf32, #tpu.memory_space<hbm>> -> memref<8192x128xf32, #tpu.memory_space<hbm>>
    tpu.enqueue_indirect_dma source(%dma_start3A_25 : memref<8192x128xf32, #tpu.memory_space<hbm>>) target(%dma_start3A_19 : memref<128x128xf32, #tpu.memory_space<vmem>>) offsets(%dma_start3A_22 : memref<128xi32, #tpu.memory_space<vmem>>) semaphore(%arg7 : memref<!tpu.dma_semaphore, #tpu.memory_space<semaphore_mem>>)
    %dma_wait3A = arith.constant 0 : i32
    %dma_wait3A_26 = arith.constant 0 : i32
    %dma_wait3A_27 = arith.constant 0 : i32
    %dma_wait3A_28 = arith.constant 0 : i32
    %dma_wait3A_29 = tpu.memref_slice %arg6[%dma_wait3A_26, %dma_wait3A_27, %dma_wait3A_28] : memref<2x128x128xf32, #tpu.memory_space<vmem>> -> memref<1x128x128xf32, #tpu.memory_space<vmem>>
    %dma_wait3A_30 = tpu.memref_squeeze %dma_wait3A_29 : memref<1x128x128xf32, #tpu.memory_space<vmem>> -> memref<128x128xf32, #tpu.memory_space<vmem>>
    %dma_wait3A_31 = arith.constant 0 : i32
    %dma_wait3A_32 = tpu.memref_slice %arg5[%dma_wait3A, %dma_wait3A_31] : memref<2x128xi32, #tpu.memory_space<vmem>> -> memref<1x128xi32, #tpu.memory_space<vmem>>
    %dma_wait3A_33 = tpu.memref_squeeze %dma_wait3A_32 : memref<1x128xi32, #tpu.memory_space<vmem>> -> memref<128xi32, #tpu.memory_space<vmem>>
    %dma_wait3A_34 = arith.constant 0 : i32
    %dma_wait3A_35 = arith.constant 0 : i32
    %dma_wait3A_36 = tpu.memref_slice %arg3[%dma_wait3A_34, %dma_wait3A_35] : memref<8192x128xf32, #tpu.memory_space<hbm>> -> memref<8192x128xf32, #tpu.memory_space<hbm>>
    tpu.wait_indirect_dma semaphore(%arg7 : memref<!tpu.dma_semaphore, #tpu.memory_space<semaphore_mem>>) src(%dma_wait3A_36 : memref<8192x128xf32, #tpu.memory_space<hbm>>) dst(%dma_wait3A_30 : memref<128x128xf32, #tpu.memory_space<vmem>>)
    %mul3A_37 = arith.constant 256 : i32
    %mul3A_38 = arith.muli %add3A, %mul3A_37 : i32
    %add3A_39 = arith.constant 0 : i32
    %add3A_40 = arith.addi %mul3A_38, %add3A_39 : i32
    %run_scoped3A = arith.constant 0 : i32
    "tpu.region"() ({
      %run_scoped3A_58 = tpu.sem_alloc : memref<!tpu.dma_semaphore, #tpu.memory_space<semaphore_mem>>
      %dma_start3A_59 = arith.constant 0 : i32
      %dma_start3A_60 = arith.constant 0 : i32
      %dma_start3A_61 = tpu.memref_slice %arg6[%run_scoped3A, %dma_start3A_59, %dma_start3A_60] : memref<2x128x128xf32, #tpu.memory_space<vmem>> -> memref<1x128x128xf32, #tpu.memory_space<vmem>>
      %dma_start3A_62 = tpu.memref_squeeze %dma_start3A_61 : memref<1x128x128xf32, #tpu.memory_space<vmem>> -> memref<128x128xf32, #tpu.memory_space<vmem>>
      %dma_start3A_63 = arith.constant 0 : i32
      %dma_start3A_64 = tpu.memref_slice %arg4[%add3A_40, %dma_start3A_63] : memref<8192x128xf32, #tpu.memory_space<hbm>> -> memref<128x128xf32, #tpu.memory_space<hbm>>
      %dma_start3A_65 = arith.constant 0 : i32
      %dma_start3A_66 = tpu.memref_slice %arg4[%add3A_40, %dma_start3A_65] : memref<8192x128xf32, #tpu.memory_space<hbm>> -> memref<128x128xf32, #tpu.memory_space<hbm>>
      %dma_start3A_67 = arith.constant 0 : i32
      %dma_start3A_68 = arith.constant 0 : i32
      %dma_start3A_69 = tpu.memref_slice %arg6[%run_scoped3A, %dma_start3A_67, %dma_start3A_68] : memref<2x128x128xf32, #tpu.memory_space<vmem>> -> memref<1x128x128xf32, #tpu.memory_space<vmem>>
      %dma_start3A_70 = tpu.memref_squeeze %dma_start3A_69 : memref<1x128x128xf32, #tpu.memory_space<vmem>> -> memref<128x128xf32, #tpu.memory_space<vmem>>
      tpu.enqueue_dma source(%dma_start3A_70 : memref<128x128xf32, #tpu.memory_space<vmem>>) target(%dma_start3A_66 : memref<128x128xf32, #tpu.memory_space<hbm>>) target_semaphore(%run_scoped3A_58 : memref<!tpu.dma_semaphore, #tpu.memory_space<semaphore_mem>>)
      %dma_wait3A_71 = arith.constant 0 : i32
      %dma_wait3A_72 = arith.constant 0 : i32
      %dma_wait3A_73 = tpu.memref_slice %arg6[%run_scoped3A, %dma_wait3A_71, %dma_wait3A_72] : memref<2x128x128xf32, #tpu.memory_space<vmem>> -> memref<1x128x128xf32, #tpu.memory_space<vmem>>
      %dma_wait3A_74 = tpu.memref_squeeze %dma_wait3A_73 : memref<1x128x128xf32, #tpu.memory_space<vmem>> -> memref<128x128xf32, #tpu.memory_space<vmem>>
      %dma_wait3A_75 = arith.constant 0 : i32
      %dma_wait3A_76 = tpu.memref_slice %arg4[%add3A_40, %dma_wait3A_75] : memref<8192x128xf32, #tpu.memory_space<hbm>> -> memref<128x128xf32, #tpu.memory_space<hbm>>
      %dma_wait3A_77 = arith.constant 0 : i32
      %dma_wait3A_78 = tpu.memref_slice %arg4[%add3A_40, %dma_wait3A_77] : memref<8192x128xf32, #tpu.memory_space<hbm>> -> memref<128x128xf32, #tpu.memory_space<hbm>>
      %dma_wait3A_79 = arith.constant 0 : i32
      %dma_wait3A_80 = arith.constant 0 : i32
      %dma_wait3A_81 = tpu.memref_slice %arg6[%run_scoped3A, %dma_wait3A_79, %dma_wait3A_80] : memref<2x128x128xf32, #tpu.memory_space<vmem>> -> memref<1x128x128xf32, #tpu.memory_space<vmem>>
      %dma_wait3A_82 = tpu.memref_squeeze %dma_wait3A_81 : memref<1x128x128xf32, #tpu.memory_space<vmem>> -> memref<128x128xf32, #tpu.memory_space<vmem>>
      tpu.wait_dma2 semaphore(%run_scoped3A_58 : memref<!tpu.dma_semaphore, #tpu.memory_space<semaphore_mem>>) src(%dma_wait3A_82 : memref<128x128xf32, #tpu.memory_space<vmem>>) dst(%dma_wait3A_78 : memref<128x128xf32, #tpu.memory_space<hbm>>)
      tpu.yield
    }) : () -> ()
    %dma_wait3A_41 = arith.constant 1 : i32
    %dma_wait3A_42 = arith.constant 1 : i32
    %dma_wait3A_43 = arith.constant 0 : i32
    %dma_wait3A_44 = arith.constant 0 : i32
    %dma_wait3A_45 = tpu.memref_slice %arg6[%dma_wait3A_42, %dma_wait3A_43, %dma_wait3A_44] : memref<2x128x128xf32, #tpu.memory_space<vmem>> -> memref<1x128x128xf32, #tpu.memory_space<vmem>>
    %dma_wait3A_46 = tpu.memref_squeeze %dma_wait3A_45 : memref<1x128x128xf32, #tpu.memory_space<vmem>> -> memref<128x128xf32, #tpu.memory_space<vmem>>
    %dma_wait3A_47 = arith.constant 0 : i32
    %dma_wait3A_48 = tpu.memref_slice %arg5[%dma_wait3A_41, %dma_wait3A_47] : memref<2x128xi32, #tpu.memory_space<vmem>> -> memref<1x128xi32, #tpu.memory_space<vmem>>
    %dma_wait3A_49 = tpu.memref_squeeze %dma_wait3A_48 : memref<1x128xi32, #tpu.memory_space<vmem>> -> memref<128xi32, #tpu.memory_space<vmem>>
    %dma_wait3A_50 = arith.constant 0 : i32
    %dma_wait3A_51 = arith.constant 0 : i32
    %dma_wait3A_52 = tpu.memref_slice %arg3[%dma_wait3A_50, %dma_wait3A_51] : memref<8192x128xf32, #tpu.memory_space<hbm>> -> memref<8192x128xf32, #tpu.memory_space<hbm>>
    tpu.wait_indirect_dma semaphore(%arg7 : memref<!tpu.dma_semaphore, #tpu.memory_space<semaphore_mem>>) src(%dma_wait3A_52 : memref<8192x128xf32, #tpu.memory_space<hbm>>) dst(%dma_wait3A_46 : memref<128x128xf32, #tpu.memory_space<vmem>>)
    %mul3A_53 = arith.constant 256 : i32
    %mul3A_54 = arith.muli %add3A, %mul3A_53 : i32
    %add3A_55 = arith.constant 128 : i32
    %add3A_56 = arith.addi %mul3A_54, %add3A_55 : i32
    %run_scoped3A_57 = arith.constant 1 : i32
    "tpu.region"() ({
      %run_scoped3A_58 = tpu.sem_alloc : memref<!tpu.dma_semaphore, #tpu.memory_space<semaphore_mem>>
      %dma_start3A_59 = arith.constant 0 : i32
      %dma_start3A_60 = arith.constant 0 : i32
      %dma_start3A_61 = tpu.memref_slice %arg6[%run_scoped3A_57, %dma_start3A_59, %dma_start3A_60] : memref<2x128x128xf32, #tpu.memory_space<vmem>> -> memref<1x128x128xf32, #tpu.memory_space<vmem>>
      %dma_start3A_62 = tpu.memref_squeeze %dma_start3A_61 : memref<1x128x128xf32, #tpu.memory_space<vmem>> -> memref<128x128xf32, #tpu.memory_space<vmem>>
      %dma_start3A_63 = arith.constant 0 : i32
      %dma_start3A_64 = tpu.memref_slice %arg4[%add3A_56, %dma_start3A_63] : memref<8192x128xf32, #tpu.memory_space<hbm>> -> memref<128x128xf32, #tpu.memory_space<hbm>>
      %dma_start3A_65 = arith.constant 0 : i32
      %dma_start3A_66 = tpu.memref_slice %arg4[%add3A_56, %dma_start3A_65] : memref<8192x128xf32, #tpu.memory_space<hbm>> -> memref<128x128xf32, #tpu.memory_space<hbm>>
      %dma_start3A_67 = arith.constant 0 : i32
      %dma_start3A_68 = arith.constant 0 : i32
      %dma_start3A_69 = tpu.memref_slice %arg6[%run_scoped3A_57, %dma_start3A_67, %dma_start3A_68] : memref<2x128x128xf32, #tpu.memory_space<vmem>> -> memref<1x128x128xf32, #tpu.memory_space<vmem>>
      %dma_start3A_70 = tpu.memref_squeeze %dma_start3A_69 : memref<1x128x128xf32, #tpu.memory_space<vmem>> -> memref<128x128xf32, #tpu.memory_space<vmem>>
      tpu.enqueue_dma source(%dma_start3A_70 : memref<128x128xf32, #tpu.memory_space<vmem>>) target(%dma_start3A_66 : memref<128x128xf32, #tpu.memory_space<hbm>>) target_semaphore(%run_scoped3A_58 : memref<!tpu.dma_semaphore, #tpu.memory_space<semaphore_mem>>)
      %dma_wait3A_71 = arith.constant 0 : i32
      %dma_wait3A_72 = arith.constant 0 : i32
      %dma_wait3A_73 = tpu.memref_slice %arg6[%run_scoped3A_57, %dma_wait3A_71, %dma_wait3A_72] : memref<2x128x128xf32, #tpu.memory_space<vmem>> -> memref<1x128x128xf32, #tpu.memory_space<vmem>>
      %dma_wait3A_74 = tpu.memref_squeeze %dma_wait3A_73 : memref<1x128x128xf32, #tpu.memory_space<vmem>> -> memref<128x128xf32, #tpu.memory_space<vmem>>
      %dma_wait3A_75 = arith.constant 0 : i32
      %dma_wait3A_76 = tpu.memref_slice %arg4[%add3A_56, %dma_wait3A_75] : memref<8192x128xf32, #tpu.memory_space<hbm>> -> memref<128x128xf32, #tpu.memory_space<hbm>>
      %dma_wait3A_77 = arith.constant 0 : i32
      %dma_wait3A_78 = tpu.memref_slice %arg4[%add3A_56, %dma_wait3A_77] : memref<8192x128xf32, #tpu.memory_space<hbm>> -> memref<128x128xf32, #tpu.memory_space<hbm>>
      %dma_wait3A_79 = arith.constant 0 : i32
      %dma_wait3A_80 = arith.constant 0 : i32
      %dma_wait3A_81 = tpu.memref_slice %arg6[%run_scoped3A_57, %dma_wait3A_79, %dma_wait3A_80] : memref<2x128x128xf32, #tpu.memory_space<vmem>> -> memref<1x128x128xf32, #tpu.memory_space<vmem>>
      %dma_wait3A_82 = tpu.memref_squeeze %dma_wait3A_81 : memref<1x128x128xf32, #tpu.memory_space<vmem>> -> memref<128x128xf32, #tpu.memory_space<vmem>>
      tpu.wait_dma2 semaphore(%run_scoped3A_58 : memref<!tpu.dma_semaphore, #tpu.memory_space<semaphore_mem>>) src(%dma_wait3A_82 : memref<128x128xf32, #tpu.memory_space<vmem>>) dst(%dma_wait3A_78 : memref<128x128xf32, #tpu.memory_space<hbm>>)
      tpu.yield
    }) : () -> ()
    return
  }
}

module attributes {stable_mosaic.version = 14 : i64} {
  func.func @_argmax_body(%arg0: i32, %arg1: memref<1x1024x32xf32, #tpu.memory_space<vmem>>, %arg2: memref<8192x32xf32, #tpu.memory_space<vmem>>, %arg3: memref<8x128xi32, #tpu.memory_space<vmem>>, %arg4: memref<8192x128xf32, #tpu.memory_space<vmem>>) attributes {dimension_semantics = [#tpu.dimension_semantics<arbitrary>], iteration_bounds = array<i64: 8>, scalar_prefetch = 0 : i64, scratch_operands = 0 : i64, tpu.core_type = #tpu.core_type<tc>, window_params = [{transform_indices = @transform_0, window_bounds = array<i64: 1, 1024, 32>}, {pipeline_mode = #tpu.pipeline_mode<synchronous>, transform_indices = @transform_1, window_bounds = array<i64: 8192, 32>}, {transform_indices = @transform_2, window_bounds = array<i64: 8, 128>}, {pipeline_mode = #tpu.pipeline_mode<synchronous>, transform_indices = @transform_3, window_bounds = array<i64: 8192, 128>}]} {
    %get3A = arith.constant 0 : index
    %get3A_0 = arith.constant 0 : index
    %get3A_1 = arith.constant 0 : index
    %get3A_2 = vector.load %arg1[%get3A, %get3A_0, %get3A_1] : memref<1x1024x32xf32, #tpu.memory_space<vmem>>, vector<1x1024x32xf32>
    %get3A_3 = vector.shape_cast %get3A_2 : vector<1x1024x32xf32> to vector<1024x32xf32>
    %get3A_4 = arith.constant 0 : index
    %get3A_5 = arith.constant 0 : index
    %get3A_6 = vector.load %arg2[%get3A_4, %get3A_5] : memref<8192x32xf32, #tpu.memory_space<vmem>>, vector<8192x32xf32>
    %dot_general3A = arith.constant dense<0.000000e+00> : vector<1024x8192xf32>
    %dot_general3A_7 = tpu.matmul %get3A_3, %get3A_6, %dot_general3A {dimension_numbers = #tpu.dot_dimension_numbers<[1], [1], [0], [0], [0, 0, 1, 0], [], []>, transpose_lhs_hint = false} : vector<1024x32xf32>, vector<8192x32xf32>, vector<1024x8192xf32> -> vector<1024x8192xf32>
    %argmax3A = tpu.reduce_index %dot_general3A_7 {axis = 1 : i32, kind = #tpu.reduction_kind<arg_max>} : vector<1024x8192xf32> -> vector<1024xi32>
    %reshape3A = vector.shape_cast %argmax3A : vector<1024xi32> to vector<8x128xi32>
    %swap3A = arith.constant 0 : index
    %swap3A_8 = arith.constant 0 : index
    %swap3A_9 = vector.load %arg3[%swap3A, %swap3A_8] : memref<8x128xi32, #tpu.memory_space<vmem>>, vector<8x128xi32>
    tpu.vector_store %arg3[%swap3A, %swap3A_8], %reshape3A {strides = array<i32>} : memref<8x128xi32, #tpu.memory_space<vmem>>, vector<8x128xi32>,
    %eq3A = arith.constant 0 : i32
    %eq3A_10 = arith.cmpi eq, %arg0, %eq3A : i32
    %convert_element_type3A = arith.extui %eq3A_10 : i1 to i32
    %cond3A = arith.constant 0 : i32
    %cond3A_11 = arith.cmpi ne, %convert_element_type3A, %cond3A : i32
    scf.if %cond3A_11 {
      %get3A_12 = arith.constant 0 : index
      %get3A_13 = arith.constant 0 : index
      %get3A_14 = vector.load %arg2[%get3A_12, %get3A_13] : memref<8192x32xf32, #tpu.memory_space<vmem>>, vector<8192x32xf32>
      %jit3A = arith.constant 0 : i32
      %convert_element_type3A_15 = arith.sitofp %jit3A : i32 to f32
      %pad3A = vector.broadcast %convert_element_type3A_15 : f32 to vector<8192x96xf32>
      %pad3A_16 = tpu.concatenate %get3A_14, %pad3A in 1 : vector<8192x32xf32>, vector<8192x96xf32> -> vector<8192x128xf32>
      %swap3A_17 = arith.constant 0 : index
      %swap3A_18 = arith.constant 0 : index
      %swap3A_19 = vector.load %arg4[%swap3A_17, %swap3A_18] : memref<8192x128xf32, #tpu.memory_space<vmem>>, vector<8192x128xf32>
      tpu.vector_store %arg4[%swap3A_17, %swap3A_18], %pad3A_16 {strides = array<i32>} : memref<8192x128xf32, #tpu.memory_space<vmem>>, vector<8192x128xf32>,
    } else {
    }
    return
  }
  func.func @transform_0(%arg0: i32) -> (i32, i32, i32) {
    %c0_i32 = arith.constant 0 : i32
    %c0_i32_0 = arith.constant 0 : i32
    %c0_i32_1 = arith.constant 0 : i32
    return %arg0, %c0_i32, %c0_i32_0 : i32, i32, i32
  }
  func.func @transform_1(%arg0: i32) -> (i32, i32) {
    %c0_i32 = arith.constant 0 : i32
    %c0_i32_0 = arith.constant 0 : i32
    %c0_i32_1 = arith.constant 0 : i32
    return %c0_i32, %c0_i32_0 : i32, i32
  }
  func.func @transform_2(%arg0: i32) -> (i32, i32) {
    %c0_i32 = arith.constant 0 : i32
    %c0_i32_0 = arith.constant 0 : i32
    return %arg0, %c0_i32 : i32, i32
  }
  func.func @transform_3(%arg0: i32) -> (i32, i32) {
    %c0_i32 = arith.constant 0 : i32
    %c0_i32_0 = arith.constant 0 : i32
    %c0_i32_1 = arith.constant 0 : i32
    return %c0_i32, %c0_i32_0 : i32, i32
  }
}

</mosaic_0001>

<sc_bundles>
// kernel: kernel.4.cloned.1.call-start
scs
__scs_entry_jumppad:
0x0: {  	(pc) =	sbr.rel $0x88, $3  }
0x1: {  	(tag) =	ssettag $0x0;
	lr =	simm.s32 $0x1  }
0x2: {  	[smem:$0x3F9F] =	sst lr;
	_ =	strace $0xD0000000  }
0x3: {  	_ = 	snop  }
0x4: {  	_ = 	snop  }
0x5: {  	_ = 	snop  }
0x6: {  	_ = 	snop  }
0x7: {  	_ = 	snop  }
__scs_overlays_trampoline_lowered:
0x8: {  	[smem:$0x3FAE] =	sst s0  }
0x9: {  	[smem:$0x3FAF] =	sst s1  }
0xa: {  	[smem:$0x3FB0] =	sst s2  }
0xb: {  	[smem:$0x3FB1] =	sst s3  }
0xc: {  	[smem:$0x3FB2] =	sst s4  }
0xd: {  	[smem:$0x3FB3] =	sst s5  }
0xe: {  	[smem:$0x3FB4] =	sst s6  }
0xf: {  	[smem:$0x3FB5] =	sst s7  }
0x10: {  	[smem:$0x3FB6] =	sst s8  }
0x11: {  	[smem:$0x3FB7] =	sst s9;
	s0 =	simm.s32 @!p0 $0x0  }
0x12: {  	s1 =	sld [smem:$0x3F9D];
	s0 =	simm.s32 @p0 $0x1  }
0x13: {  	[smem:$0x3FB8] =	sst s0;
	s0 =	simm.s32 @!p1 $0x0  }
0x14: {  	s2 =	sld [smem:$0x3F9C];
	s0 =	simm.s32 @p1 $0x1  }
0x15: {  	[smem:$0x3FB9] =	sst s0;
	s0 =	simm.s32 @!p2 $0x0  }
0x16: {  	s3 =	sld [smem:$0x3FDB];
	s0 =	simm.s32 @p2 $0x1  }
0x17: {  	s4 =	simm.s32 $0x1BF5;
	[smem:$0x3FBB] =	sst s0  }
0x18: {  	s0 =	sld [smem:$0x3F9E];
	_ =	swait.ge [sflag:s4], $0x0  }
0x19: {  	s7 =	sld [smem:$0x3F9F]  }
0x1a: {  	s8 =	sadd.s32 $0xFFFFE003, lr  }
0x1b: {  	s9 =	sadd.s32 $0xFFFFFEF7, lr;
	s5 =	simm.s32 $0xFFFFFFFF;
	p2 =	slt.u32 s8, $0xFFFFF086  }
0x1c: {  	p1 =	slt.u32 s9, $0xF7A;
	s5 =	simm.s32 @!p2 $0x0  }
0x1d: {  	s5 =	simm.s32 @p1 $0x1;
	p0 =	seq.s32 s7, s2  }
0x1e: {  	s7 =	smul.u32 @!p0 $0xF7A, s2;
	p2 =	seq.s32 @!p0 s5, $0x0  }
0x1f: {  	s9 =	smul.u32 $0xF7A, s1;
	s8 =	simm.s32 @!p0 $0x1BF5;
	p2 =	por !p2, p0  }
0x20: {  	[sflag:s8] =	ssyncset.s32 @!p0 $0xFFFFF086;
	s6 =	sadd.s32 @!p0 s3, s7;
	s7 =	simm.s32 @!p0 $0x108  }
0x21: {  	s3 =	sadd.s32 s3, s9;
	s6 =	sadd.s32 @!p0 $0x88, s6;
	s7 =	simm.s32 @p2 $0x1082  }
0x22: {  	[simem:s7], [sflag:s8] =	dma.local @!p0 [hbm:s6], $0xF7A  }
0x23: {  	s9 =	sor.u32 $0xD0000000, s2;
	s6 =	simm.s32 $0x108;
	_ =	swait.ge @!p0 [sflag:s8], $0x0  }
0x24: {  	s3 =	sadd.s32 $0x88, s3;
	s6 =	simm.s32 @!p1 $0x1082;
	[sflag:s4] =	ssyncset.s32 $0xFFFFF086  }
0x25: {  	[simem:s6], [sflag:s4] =	dma.local [hbm:s3], $0xF7A  }
0x26: {  	[smem:$0x3F9F] =	sst s1;
	(tag) =	ssettag s2;
	_ =	strace s9  }
0x27: {  	s1 =	sld [smem:$0x3FAF]  }
0x28: {  	s2 =	sld [smem:$0x3FB0]  }
0x29: {  	s4 =	sld [smem:$0x3FB2]  }
0x2a: {  	p0 =	seq.s32 s5, $0x0;
	s5 =	sld [smem:$0x3FB3]  }
0x2b: {  	s6 =	sld [smem:$0x3FB4]  }
0x2c: {  	s7 =	sld [smem:$0x3FB5]  }
0x2d: {  	s3 =	simm.s32 $0x108;
	s8 =	sld [smem:$0x3FB6]  }
0x2e: {  	s3 =	simm.s32 @!p0 $0x1082;
	s9 =	sld [smem:$0x3FB7]  }
0x2f: {  	lr =	sadd.s32 s0, s3;
	s0 =	sld [smem:$0x3FAE]  }
0x30: {  	s3 =	sld [smem:$0x3FB1]  }
0x31: {  	[smem:$0x3FBA] =	sst s10  }
0x32: {  	s10 =	sld [smem:$0x3FB8];
	_ =	sdelay $0x3  }
0x33: {  	p0 =	seq.s32 s10, $0x1;
	s10 =	sld [smem:$0x3FBA];
	_ =	sdelay $0x3  }
0x34: {  	[smem:$0x3FBA] =	sst s10  }
0x35: {  	s10 =	sld [smem:$0x3FB9];
	_ =	sdelay $0x3  }
0x36: {  	p1 =	seq.s32 s10, $0x1;
	s10 =	sld [smem:$0x3FBA];
	_ =	sdelay $0x3  }
0x37: {  	[smem:$0x3FBA] =	sst s10  }
0x38: {  	s10 =	sld [smem:$0x3FBB]  }
0x39: {  	_ = 	snop;
	(pc) =	sbr.ind lr, $3  }
0x3a: {  	_ = 	snop  }
0x3b: {  	_ = 	snop  }
0x3c: {  	p2 =	seq.s32 s10, $0x1;
	s10 =	sld [smem:$0x3FBA]  }
0x3d: {  	_ =	shalt  }
0x3e: {  	_ =	shalt  }
0x3f: {  	_ =	shalt  }
0x40: {  	_ =	shalt  }
0x41: {  	_ =	shalt  }
0x42: {  	_ =	shalt  }
0x43: {  	_ =	shalt  }
0x44: {  	_ =	shalt  }
0x45: {  	_ =	shalt  }
0x46: {  	_ =	shalt  }
0x47: {  	_ =	shalt  }
0x48: {  	_ =	shalt  }
0x49: {  	_ =	shalt  }
0x4a: {  	_ =	shalt  }
0x4b: {  	_ =	shalt  }
0x4c: {  	_ =	shalt  }
0x4d: {  	_ =	shalt  }
0x4e: {  	_ =	shalt  }
0x4f: {  	_ =	shalt  }
0x50: {  	_ =	shalt  }
0x51: {  	_ =	shalt  }
0x52: {  	_ =	shalt  }
0x53: {  	_ =	shalt  }
0x54: {  	_ =	shalt  }
0x55: {  	_ =	shalt  }
0x56: {  	_ =	shalt  }
0x57: {  	_ =	shalt  }
0x58: {  	_ =	shalt  }
0x59: {  	_ =	shalt  }
0x5a: {  	_ =	shalt  }
0x5b: {  	_ =	shalt  }
0x5c: {  	_ =	shalt  }
0x5d: {  	_ =	shalt  }
0x5e: {  	_ =	shalt  }
0x5f: {  	_ =	shalt  }
0x60: {  	_ =	shalt  }
0x61: {  	_ =	shalt  }
0x62: {  	_ =	shalt  }
0x63: {  	_ =	shalt  }
0x64: {  	_ =	shalt  }
0x65: {  	_ =	shalt  }
0x66: {  	_ =	shalt  }
0x67: {  	_ =	shalt  }
0x68: {  	_ =	shalt  }
0x69: {  	_ =	shalt  }
0x6a: {  	_ =	shalt  }
0x6b: {  	_ =	shalt  }
0x6c: {  	_ =	shalt  }
0x6d: {  	_ =	shalt  }
0x6e: {  	_ =	shalt  }
0x6f: {  	_ =	shalt  }
0x70: {  	_ =	shalt  }
0x71: {  	_ =	shalt  }
0x72: {  	_ =	shalt  }
0x73: {  	_ =	shalt  }
0x74: {  	_ =	shalt  }
0x75: {  	_ =	shalt  }
0x76: {  	_ =	shalt  }
0x77: {  	_ =	shalt  }
0x78: {  	_ =	shalt  }
0x79: {  	_ =	shalt  }
0x7a: {  	_ =	shalt  }
0x7b: {  	_ =	shalt  }
0x7c: {  	_ =	shalt  }
0x7d: {  	_ =	shalt  }
0x7e: {  	_ =	shalt  }
0x7f: {  	_ =	shalt  }
0x80: {  	_ =	shalt  }
0x81: {  	_ =	shalt  }
0x82: {  	_ =	shalt  }
0x83: {  	_ =	shalt  }
0x84: {  	_ =	shalt  }
0x85: {  	_ =	shalt  }
0x86: {  	_ =	shalt  }
0x87: {  	_ =	shalt  }
.Lfunc_end0:
.L_simem_size_0:
called_computation_lowered:
.L_overlay_start_0:
0x88: {  	s2 =	sld [smem:$0x3FD9]  }
0x89: {  	s3 =	sld [smem:$0x3FFE];
	_ =	sdelay $0x1  }
0x8a: {  	s1 =	srdreg.scid  }
0x8b: {  	s0 =	sand.u32 $0x1, s1  }
0x8c: {  	s17 =	sshll.u32 s0, $0xA;
	s2 =	sadd.s32 s3, s2  }
0x8d: {  	s2 =	sadd.s32 s2, s17  }
0x8e: {  	[smem:$0x3FC6] =	sst s2  }
0x8f: {  	_ = 	snop  }
0x90: {  	s2 =	sld [smem:$0x3FD0];
	(tm) =	ssettm $0x1  }
0x91: {  	s18 =	sld [smem:$0x3FFB];
	_ =	sdelay $0x3  }
0x92: {  	_ =	strace s18  }
0x93: {  	s3 =	sld [smem:$0x3FFC];
	_ =	sdelay $0x3  }
0x94: {  	_ =	strace s3  }
0x95: {  	s3 =	sld [smem:$0x3FFD];
	_ =	sdelay $0x3  }
0x96: {  	_ =	strace s3  }
0x97: {  	_ =	strace $0x8FFFFFFF  }
0x98: {  	s19 =	sld [smem:$0x3FDB];
	_ =	sdelay $0x1  }
0x99: {  	s4 =	simm.s32 $_scs_section_size  }
0x9a: {  	s5 =	simm.s32 $_size__tile_overlayer_lowered;
	s6 =	simm.s32 $_tile_overlayer_lowered  }
0x9b: {  	s22 =	simm.s32 $0x1BFF;
	s21 =	sshll.u32 s6, $0x1;
	s3 =	sadd.s32 s4, s19  }
0x9c: {  	s7 =	simm.s32 $0x0;
	s20 =	sshll.u32 s5, $0x1;
	s5 =	sadd.s32 s21, s3  }
0x9d: {  	[timem:s7], [sflag:s22] =	dma.local [hbm:s5], s20  }
0x9e: {  	_ =	swait.ge [sflag:s22], s20  }
0x9f: {  	s4 =	ssub.s32 $0x0, s20;
	[sflag:s22] =	ssyncset.done $0x0  }
0xa0: {  	[sflag:s22] =	ssyncadd.s32 s4;
	_ =	sdelay $0x1  }
0xa1: {  	s23 =	simm.s32 $0x1B8B  }
0xa2: {  	_ =	swait.ge [sflag:s23], $0x1  }
0xa3: {  	[sflag:s23] =	ssyncset.done $0x0  }
0xa4: {  	s25 =	simm.s32 $0x1B8E;
	s24 =	sld [smem:$0x3FFE];
	[sflag:s23] =	ssyncadd.s32 $0xFFFFFFFF  }
0xa5: {  	s26 =	simm.s32 $execute0_lowered;
	[smem:$0x3FD2] =	sst s25  }
0xa6: {  	s5 =	sshll.u32 s26, $0x1;
	_ =	strace $0x80000046;
	[dreg:$0x1] =	wrdreg $0xFFFFFFFF  }
0xa7: {  	s28 =	simm.s32 $_size_execute0_lowered;
	s3 =	sadd.s32 s3, s5;
	[dreg:$0x0] =	wrdreg $0x0  }
0xa8: {  	s5 =	sshll.u32 s28, $0x1;
	[dreg:$0x2] =	wrdreg s3  }
0xa9: {  	[dreg:$0x3] =	wrdreg s5  }
0xaa: {  	[dreg:$0x4] =	wrdreg $0xC0  }
0xab: {  	_ =	task [dreg:s7], $0x5FFFF  }
0xac: {  	[dreg:$0x1] =	wrdreg $0xFFFFFFFF  }
0xad: {  	[dreg:$0x0] =	wrdreg $0x60  }
0xae: {  	[dreg:$0x2] =	wrdreg s2  }
0xaf: {  	[dreg:$0x3] =	wrdreg s24  }
0xb0: {  	[dreg:$0x4] =	wrdreg $0x9  }
0xb1: {  	_ =	task.clear_ibuf [dreg:s7], $0x5FFFF;
	_ =	strace $0x90000046  }
0xb2: {  	s29 =	simm.s32 $0x9;
	_ =	strace $0x80000048  }
0xb3: {  	_ =	swait.ge [sflag:s29], $0x1  }
0xb4: {  	[sflag:s29] =	ssyncadd.s32 $0xFFFFFFFF  }
0xb5: {  	_ =	strace $0x90000048  }
0xb6: {  	_ =	sfence  }
0xb7: {  	s30 =	sld [smem:$0x0];
	_ =	sdelay $0x2  }
0xb8: {  	s31 =	sshll.u32 s1, $0xD;
	s1 =	sshrl.u32 s1, $0x2  }
0xb9: {  	s3 =	sand.u32 $0x4000, s31;
	s1 =	sadd.s32 s1, s30  }
0xba: {  	s0 =	sor.u32 s3, s0;
	s1 =	sshll.u32 s1, $0x11  }
0xbb: {  	s0 =	sor.u32 s1, s0  }
0xbc: {  	s0 =	sadd.s32 $0x8F2B, s0  }
0xbd: {  	[sflag:s0] =	ssyncadd.remote.s32 $0x1  }
0xbe: {  	_ =	sfence.sel $0xFFFF  }
0xbf: {  	[dreg:$0x0] =	wrdreg $0xFFFFFFFF;
	(pc) =	sbr.abs _section_cstart, $3  }
0xc0: {  	[dreg:$0x1] =	wrdreg $0xFFFFFFFF  }
0xc1: {  	_ =	task.clear_ibuf [dreg:s7], $0x2FFFF;
	_ =	strace $0x9FFFFFFF  }
0xc2: {  	(tm) =	ssettm $0x7FFFFFFF  }
0xc3: {  	_ =	shalt  }
tec
execute0_lowered:
.L_overlay_start_1:
0x0: {  	(tag) =	ssettag $0x1  }
0x1: {  	s3 =	rddreg [dreg:$0x0]  }
0x2: {  	s1 =	srdreg.scid;
	s0 =	stileid.u32  }
0x3: {  	s10 =	rddreg [dreg:$0x1];
	s11 =	sand.u32 $0x1, s1;
	s4 =	sshll.u32 s0, $0x1  }
0x4: {  	s2 =	simm.s32 $0x0;
	s1 =	rddreg [dreg:$0x2];
	s12 =	sor.u32 s11, s4  }
0x5: {  	[smem:$0x7FF] =	sst s2;
	s4 =	sshll.u32 s12, $0x5  }
0x6: {  	_ =	strace $0x80000047;
	s4 =	sadd.s32 s3, s4;
	s3 =	simm.s32 $0x2  }
0x7: {  	[tilespmem:s2], [sflag:$0x2] =	stream.linear.gather [hbm4b:s4+s2], $0x100, $0x38;
	[tilespmem:$0x8100] =	vst v63  }
0x8: {  	_ =	swait.ge [sflag:s3], $0x100  }
0x9: {  	s6 =	simm.s32 $0x80;
	[sflag:s3] =	ssyncset.done $0x0  }
0xa: {  	s7 =	simm.s32 $0x100;
	s5 =	sadd.s32 $0xC00, s10;
	[sflag:s3] =	ssyncadd.s32 $0xFFFFFF00  }
0xb: {  	[tilespmem:s7], [sflag:$0x1] =	stream.indirect.gather [hbm4b:s5+s6], $0x80, s2, s6, $0xb8;
	[tilespmem:$0x8100] =	vst v63  }
0xc: {  	s8 =	simm.s32 $0x4100;
	s9 =	simm.s32 $0x1  }
0xd: {  	[tilespmem:s8], [sflag:$0x1] =	stream.indirect.gather [hbm4b:s5+s6], $0x80, s6, s6, $0xb8;
	[tilespmem:$0x8100] =	vst v63  }
0xe: {  	s12 =	sshll.u32 s12, $0xC;
	_ =	swait.ge [sflag:s9], $0x4000  }
0xf: {  	s12 =	sadd.s32 s12, s10;
	[sflag:s9] =	ssyncset.done $0x0  }
0x10: {  	s11 =	ssub.s32 $0x2, s11;
	s10 =	sadd.s32 $0x20C00, s12;
	[sflag:s9] =	ssyncadd.s32 $0xFFFFC000  }
0x11: {  	[hbm4b:s10+s2] =	stream.linear.scatter [tilespmem:s7], [sflag:$0x2], $0x4000, $0x38;
	[tilespmem:$0x8100] =	vst v63  }
0x12: {  	s13 =	sshrl.u32 s11, $0x1;
	_ =	swait.ge [sflag:s3], $0x4000  }
0x13: {  	s13 =	ssub.s32 s11, s13;
	[sflag:s3] =	ssyncset.done $0x0  }
0x14: {  	s31 =	smax.u32 s13, $0x1;
	[sflag:s3] =	ssyncadd.s32 $0xFFFFC000  }
0x15: {  	p0 =	sne.s32 s31, $0x1;
	_ =	swait.ge [sflag:s9], $0x4000  }
.Ltmp0:
0x16: {  	[sflag:s9] =	ssyncset.done $0x0;
	(pc) =	sbr.rel @!p0 .LBB2_2-.Ltmp0, $4  }
0x17: {  	s11 =	sadd.s32 $0x21400, s12;
	[sflag:s9] =	ssyncadd.s32 $0xFFFFC000  }
0x18: {  	[hbm4b:s11+s2] =	stream.linear.scatter [tilespmem:s8], [sflag:$0x2], $0x4000, $0x38;
	[tilespmem:$0x8100] =	vst v63  }
0x19: {  	_ =	swait.ge [sflag:s3], $0x4000  }
0x1a: {  	s12 =	sadd.s32 $0xFFFFFFFF, s31;
	[sflag:s3] =	ssyncset.done $0x0  }
.LBB2_1:
0x1b: {  	p0 =	sne.s32 s12, $0x1;
	s12 =	sadd.s32 $0xFFFFFFFF, s12;
	[sflag:s3] =	ssyncadd.s32 $0xFFFFC000  }
0x1c: {  	[tilespmem:s2], [sflag:$0x2] =	stream.linear.gather [hbm4b:s4+s2], $0x100, $0x38;
	[tilespmem:$0x8100] =	vst v63  }
0x1d: {  	_ =	swait.ge [sflag:s3], $0x100  }
0x1e: {  	[sflag:s3] =	ssyncset.done $0x0  }
0x1f: {  	[sflag:s3] =	ssyncadd.s32 $0xFFFFFF00  }
0x20: {  	[tilespmem:s7], [sflag:$0x1] =	stream.indirect.gather [hbm4b:s5+s6], $0x80, s2, s6, $0xb8;
	[tilespmem:$0x8100] =	vst v63  }
0x21: {  	_ = 	snop  }
0x22: {  	[tilespmem:s8], [sflag:$0x1] =	stream.indirect.gather [hbm4b:s5+s6], $0x80, s6, s6, $0xb8;
	[tilespmem:$0x8100] =	vst v63  }
0x23: {  	_ =	swait.ge [sflag:s9], $0x4000  }
0x24: {  	[sflag:s9] =	ssyncset.done $0x0  }
0x25: {  	[sflag:s9] =	ssyncadd.s32 $0xFFFFC000  }
0x26: {  	[hbm4b:s10+s2] =	stream.linear.scatter [tilespmem:s7], [sflag:$0x2], $0x4000, $0x38;
	[tilespmem:$0x8100] =	vst v63  }
0x27: {  	_ =	swait.ge [sflag:s3], $0x4000  }
0x28: {  	[sflag:s3] =	ssyncset.done $0x0  }
0x29: {  	[sflag:s3] =	ssyncadd.s32 $0xFFFFC000  }
0x2a: {  	_ =	swait.ge [sflag:s9], $0x4000  }
.Ltmp1:
0x2b: {  	[sflag:s9] =	ssyncset.done $0x0;
	(pc) =	sbr.rel @p0 .LBB2_1-.Ltmp1, $4  }
0x2c: {  	[sflag:s9] =	ssyncadd.s32 $0xFFFFC000  }
0x2d: {  	[hbm4b:s11+s2] =	stream.linear.scatter [tilespmem:s8], [sflag:$0x2], $0x4000, $0x38;
	[tilespmem:$0x8100] =	vst v63  }
0x2e: {  	_ =	swait.ge [sflag:s3], $0x4000  }
0x2f: {  	[sflag:s3] =	ssyncset.done $0x0  }
.LBB2_2:
0x30: {  	[sflag:s3] =	ssyncadd.s32 $0xFFFFC000  }
0x31: {  	_ =	sfence.sel $0x180000  }
0x32: {  	[bflag:$0x0] =	sbarrier.arrive $0xFFFF  }
0x33: {  	p0 =	sne.s32 s0, $0x0;
	_ =	strace $0x90000047  }
0x34: {  	s0 =	sadd.s32 @!p0 $0x100000, s1;
	[bflag:$0x2] =	sbarrier.arrive $0xFFFF  }
0x35: {  	[sflag:s0] =	ssyncadd.tile.s32 @!p0 $0x1;
	_ =	shalt  }
.Lfunc_end2:
_tile_overlayer_lowered:
.L_overlay_start_2:
0x36: {  	(tag) =	ssettag $0x2  }
0x37: {  	s0 =	rddreg [dreg:$0x0];
	s2 =	stileid.u32  }
0x38: {  	s1 =	rddreg [dreg:$0x1];
	p0 =	sne.s32 s2, $0x0  }
0x39: {  	s3 =	rddreg [dreg:$0x2];
	[bflag:$0x3] =	sbarrier.arrive $0xFFFF;
	s2 =	simm.s32 @!p0 $0x1C02  }
0x3a: {  	[timem:s3], [sflag:s2] =	dma.local @!p0 [hbm:s0], s1  }
0x3b: {  	s0 =	simm.s32 @!p0 $0x2  }
0x3c: {  	_ =	swait.ge @!p0 [sflag:s0], s1  }
0x3d: {  	s1 =	ssub.s32 @!p0 $0x0, s1;
	[sflag:s0] =	ssyncset.done @!p0 $0x0  }
0x3e: {  	[sflag:s0] =	ssyncadd.s32 @!p0 s1  }
0x3f: {  	[bflag:$0x3] =	sbarrier.arrive $0xFFFF  }
0x40: {  	_ =	shalt  }

</sc_bundles>
